<compile_context>
chip_gen: v7x
topology: tpu7x:2x2x1
jax: 0.10.2.dev20260603
libtpu: 0.0.44.dev20260713+nightly
codegen_flags: <defaults>
</compile_context>

<pallas_src>
import functools

import jax
import jax.numpy as jnp
from jax import lax
from jax.experimental import pallas as pl
from jax.experimental.pallas import tpu as pltpu
from jax.experimental.pallas import tpu_sc as plsc

USER_DIM = 1000000
EMBED_DIM = 64
OUT_DIM = 64
BATCH = 16384

NC, NS = 2, 16
NW = NC * NS
B_PER_W = BATCH // NW
CHUNK = 128
N_CHUNKS = B_PER_W // CHUNK

_mesh = plsc.VectorSubcoreMesh(
    core_axis_name="c", subcore_axis_name="s", num_cores=NC, num_subcores=NS
)



TBK = 16384


N_TBLK = (USER_DIM + TBK - 1) // TBK
T2_ROWS = N_TBLK * (TBK // 2)


def _tr_body(tT_ref, out_ref):
    t = jnp.swapaxes(tT_ref[...], 0, 1)
    out_ref[:, 0:EMBED_DIM] = t[0 : TBK // 2, :]
    out_ref[:, EMBED_DIM:128] = t[TBK // 2 : TBK, :]


def _tc_transpose(tableT):
    return pl.pallas_call(
        _tr_body,
        grid=(N_TBLK,),
        in_specs=[pl.BlockSpec((EMBED_DIM, TBK), lambda i: (0, i))],
        out_specs=pl.BlockSpec((TBK // 2, 128), lambda i: (i, 0)),
        out_shape=jax.ShapeDtypeStruct((T2_ROWS, 128), jnp.float32),
    )(tableT)




@functools.partial(
    pl.kernel,
    out_type=jax.ShapeDtypeStruct((BATCH, 128), jnp.float32),
    mesh=_mesh,
    scratch_types=[
        pltpu.VMEM((N_CHUNKS, CHUNK), jnp.int32),
        pltpu.VMEM((B_PER_W, 128), jnp.float32),
        pltpu.SemaphoreType.DMA,
    ],
)
def _sc_gather(idx_hbm, table2_hbm, emb_hbm, idx_v, rows_v, sem):
    wid = lax.axis_index("s") * NC + lax.axis_index("c")
    base = wid * B_PER_W
    pltpu.sync_copy(idx_hbm.at[wid], idx_v)
    copies = [
        pltpu.async_copy(
            table2_hbm.at[idx_v.at[j]],
            rows_v.at[pl.ds(j * CHUNK, CHUNK)],
            sem,
        )
        for j in range(N_CHUNKS)
    ]
    for c in copies:
        c.wait()
    pltpu.sync_copy(rows_v, emb_hbm.at[pl.ds(base, B_PER_W)])



BM = 2048


def _mm_body(emb_ref, par_ref, ww_ref, b_ref, out_ref):
    lanes = lax.broadcasted_iota(jnp.int32, (BM, 128), 1)
    par = par_ref[...]
    sel = jnp.where(lanes < EMBED_DIM, 1.0 - par, par)
    out_ref[...] = (
        jnp.dot(emb_ref[...] * sel, ww_ref[...], preferred_element_type=jnp.float32)
        + b_ref[...]
    )


def _tc_linear(emb, par, WW, b2d):
    return pl.pallas_call(
        _mm_body,
        grid=(BATCH // BM,),
        in_specs=[
            pl.BlockSpec((BM, 128), lambda i: (i, 0)),
            pl.BlockSpec((BM, 1), lambda i: (i, 0)),
            pl.BlockSpec((128, OUT_DIM), lambda i: (0, 0)),
            pl.BlockSpec((1, OUT_DIM), lambda i: (0, 0)),
        ],
        out_specs=pl.BlockSpec((BM, OUT_DIM), lambda i: (i, 0)),
        out_shape=jax.ShapeDtypeStruct((BATCH, OUT_DIM), jnp.float32),
    )(emb, par, WW, b2d)


def kernel(x, table, W, b):
    xi = x.astype(jnp.int32)
    half = TBK // 2
    g = (xi // TBK) * half + (xi % half)
    idx2 = g.reshape(NW, N_CHUNKS, CHUNK)
    table2 = _tc_transpose(table.T)
    emb = _sc_gather(idx2, table2)
    par = ((xi // half) & 1).astype(jnp.float32).reshape(BATCH, 1)
    WW = jnp.concatenate([W, W], axis=0)
    return _tc_linear(emb, par, WW, b.reshape(1, OUT_DIM))

# --- scband reference (transcript-rebuilt; emitter-appended) ---
"""Pipeline reference for scband-user-tower-85435489452369 (READ-ONLY COPY).

The authoritative reference and input builder live on the scoring server;
editing this copy changes nothing except your own understanding.
"""

import jax, jax.numpy as jnp
import numpy as np

USER_DIM = 1000000
EMBED_DIM = 64
OUT_DIM = 64
BATCH = 16384

def setup_inputs(seed: int = 0) -> dict:
    key = jax.random.key(seed)
    k1, k2, k3, k4 = jax.random.split(key, 4)
    x = jax.random.randint(k1, (BATCH,), 0, USER_DIM, dtype=jnp.int64 if jax.config.jax_enable_x64 else jnp.int32)
    table = jax.random.normal(k2, (USER_DIM, EMBED_DIM), dtype=jnp.float32) * 0.02
    W = jax.random.normal(k3, (EMBED_DIM, OUT_DIM), dtype=jnp.float32) * (1.0 / np.sqrt(EMBED_DIM))
    b = jax.random.normal(k4, (OUT_DIM,), dtype=jnp.float32) * 0.01
    return {"x": x, "table": table, "W": W, "b": b}

def reference(x, table, W, b):
    # nn.Embedding lookup -> gather rows
    emb = jnp.take(table, x, axis=0)  # [B, EMBED_DIM]
    # nn.Linear: emb @ W + b
    out = emb @ W + b  # [B, OUT_DIM]
    return out

if __name__ == "__main__":
    import jax
    _d = setup_inputs()
    print(jax.jit(kernel)(*tuple(_d.values())))

</pallas_src>

<mosaic_0001>
#map = affine_map<(d0, d1) -> (0, 0, 0)>
#map1 = affine_map<(d0, d1) -> (0, 0)>
module attributes {stable_mosaic.version = 14 : i64} {
  func.func @_sc_gather(%arg0: i32, %arg1: i32, %arg2: memref<32x4x128xi32, #tpu.memory_space<hbm>>, %arg3: memref<507904x128xf32, #tpu.memory_space<hbm>>, %arg4: memref<16384x128xf32, #tpu.memory_space<hbm>>, %arg5: memref<4x128xi32, #tpu.memory_space<vmem>>, %arg6: memref<512x128xf32, #tpu.memory_space<vmem>>, %arg7: memref<!tpu.dma_semaphore, #tpu.memory_space<semaphore_mem>>) attributes {dimension_semantics = [#tpu.dimension_semantics<core_parallel>, #tpu.dimension_semantics<subcore_parallel>], iteration_bounds = array<i64: 2, 16>, scalar_prefetch = 0 : i64, scratch_operands = 3 : i64, tpu.core_type = #tpu.core_type<sc_vector_subcore>, window_params = [{transform_indices = #map}, {transform_indices = #map1}, {transform_indices = #map1}]} {
    %mul3A = arith.constant 2 : i32
    %mul3A_0 = arith.muli %arg1, %mul3A : i32
    %add3A = arith.addi %mul3A_0, %arg0 : i32
    %mul3A_1 = arith.constant 512 : i32
    %mul3A_2 = arith.muli %add3A, %mul3A_1 : i32
    "tpu.region"() ({
      %run_scoped3A = tpu.sem_alloc : memref<!tpu.dma_semaphore, #tpu.memory_space<semaphore_mem>>
      %dma_start3A_81 = arith.constant 0 : i32
      %dma_start3A_82 = arith.constant 0 : i32
      %dma_start3A_83 = tpu.memref_slice %arg2[%add3A, %dma_start3A_81, %dma_start3A_82] : memref<32x4x128xi32, #tpu.memory_space<hbm>> -> memref<1x4x128xi32, #tpu.memory_space<hbm>>
      %dma_start3A_84 = tpu.memref_squeeze %dma_start3A_83 : memref<1x4x128xi32, #tpu.memory_space<hbm>> -> memref<4x128xi32, #tpu.memory_space<hbm>>
      %dma_start3A_85 = arith.constant 0 : i32
      %dma_start3A_86 = arith.constant 0 : i32
      %dma_start3A_87 = tpu.memref_slice %arg2[%add3A, %dma_start3A_85, %dma_start3A_86] : memref<32x4x128xi32, #tpu.memory_space<hbm>> -> memref<1x4x128xi32, #tpu.memory_space<hbm>>
      %dma_start3A_88 = tpu.memref_squeeze %dma_start3A_87 : memref<1x4x128xi32, #tpu.memory_space<hbm>> -> memref<4x128xi32, #tpu.memory_space<hbm>>
      tpu.enqueue_dma source(%dma_start3A_88 : memref<4x128xi32, #tpu.memory_space<hbm>>) target(%arg5 : memref<4x128xi32, #tpu.memory_space<vmem>>) target_semaphore(%run_scoped3A : memref<!tpu.dma_semaphore, #tpu.memory_space<semaphore_mem>>)
      %dma_wait3A_89 = arith.constant 0 : i32
      %dma_wait3A_90 = arith.constant 0 : i32
      %dma_wait3A_91 = tpu.memref_slice %arg2[%add3A, %dma_wait3A_89, %dma_wait3A_90] : memref<32x4x128xi32, #tpu.memory_space<hbm>> -> memref<1x4x128xi32, #tpu.memory_space<hbm>>
      %dma_wait3A_92 = tpu.memref_squeeze %dma_wait3A_91 : memref<1x4x128xi32, #tpu.memory_space<hbm>> -> memref<4x128xi32, #tpu.memory_space<hbm>>
      %dma_wait3A_93 = arith.constant 0 : i32
      %dma_wait3A_94 = arith.constant 0 : i32
      %dma_wait3A_95 = tpu.memref_slice %arg2[%add3A, %dma_wait3A_93, %dma_wait3A_94] : memref<32x4x128xi32, #tpu.memory_space<hbm>> -> memref<1x4x128xi32, #tpu.memory_space<hbm>>
      %dma_wait3A_96 = tpu.memref_squeeze %dma_wait3A_95 : memref<1x4x128xi32, #tpu.memory_space<hbm>> -> memref<4x128xi32, #tpu.memory_space<hbm>>
      tpu.wait_dma2 semaphore(%run_scoped3A : memref<!tpu.dma_semaphore, #tpu.memory_space<semaphore_mem>>) src(%dma_wait3A_96 : memref<4x128xi32, #tpu.memory_space<hbm>>) dst(%arg5 : memref<4x128xi32, #tpu.memory_space<vmem>>)
      tpu.yield
    }) : () -> ()
    %dma_start3A = arith.constant 0 : i32
    %dma_start3A_3 = arith.constant 0 : i32
    %dma_start3A_4 = arith.constant 0 : i32
    %dma_start3A_5 = tpu.memref_slice %arg6[%dma_start3A_3, %dma_start3A_4] : memref<512x128xf32, #tpu.memory_space<vmem>> -> memref<128x128xf32, #tpu.memory_space<vmem>>
    %dma_start3A_6 = arith.constant 0 : i32
    %dma_start3A_7 = tpu.memref_slice %arg5[%dma_start3A, %dma_start3A_6] : memref<4x128xi32, #tpu.memory_space<vmem>> -> memref<1x128xi32, #tpu.memory_space<vmem>>
    %dma_start3A_8 = tpu.memref_squeeze %dma_start3A_7 : memref<1x128xi32, #tpu.memory_space<vmem>> -> memref<128xi32, #tpu.memory_space<vmem>>
    %dma_start3A_9 = arith.constant 0 : i32
    %dma_start3A_10 = arith.constant 0 : i32
    %dma_start3A_11 = tpu.memref_slice %arg3[%dma_start3A_9, %dma_start3A_10] : memref<507904x128xf32, #tpu.memory_space<hbm>> -> memref<507904x128xf32, #tpu.memory_space<hbm>>
    tpu.enqueue_indirect_dma source(%dma_start3A_11 : memref<507904x128xf32, #tpu.memory_space<hbm>>) target(%dma_start3A_5 : memref<128x128xf32, #tpu.memory_space<vmem>>) offsets(%dma_start3A_8 : memref<128xi32, #tpu.memory_space<vmem>>) semaphore(%arg7 : memref<!tpu.dma_semaphore, #tpu.memory_space<semaphore_mem>>)
    %dma_start3A_12 = arith.constant 1 : i32
    %dma_start3A_13 = arith.constant 128 : i32
    %dma_start3A_14 = arith.constant 0 : i32
    %dma_start3A_15 = tpu.memref_slice %arg6[%dma_start3A_13, %dma_start3A_14] : memref<512x128xf32, #tpu.memory_space<vmem>> -> memref<128x128xf32, #tpu.memory_space<vmem>>
    %dma_start3A_16 = arith.constant 0 : i32
    %dma_start3A_17 = tpu.memref_slice %arg5[%dma_start3A_12, %dma_start3A_16] : memref<4x128xi32, #tpu.memory_space<vmem>> -> memref<1x128xi32, #tpu.memory_space<vmem>>
    %dma_start3A_18 = tpu.memref_squeeze %dma_start3A_17 : memref<1x128xi32, #tpu.memory_space<vmem>> -> memref<128xi32, #tpu.memory_space<vmem>>
    %dma_start3A_19 = arith.constant 0 : i32
    %dma_start3A_20 = arith.constant 0 : i32
    %dma_start3A_21 = tpu.memref_slice %arg3[%dma_start3A_19, %dma_start3A_20] : memref<507904x128xf32, #tpu.memory_space<hbm>> -> memref<507904x128xf32, #tpu.memory_space<hbm>>
    tpu.enqueue_indirect_dma source(%dma_start3A_21 : memref<507904x128xf32, #tpu.memory_space<hbm>>) target(%dma_start3A_15 : memref<128x128xf32, #tpu.memory_space<vmem>>) offsets(%dma_start3A_18 : memref<128xi32, #tpu.memory_space<vmem>>) semaphore(%arg7 : memref<!tpu.dma_semaphore, #tpu.memory_space<semaphore_mem>>)
    %dma_start3A_22 = arith.constant 2 : i32
    %dma_start3A_23 = arith.constant 256 : i32
    %dma_start3A_24 = arith.constant 0 : i32
    %dma_start3A_25 = tpu.memref_slice %arg6[%dma_start3A_23, %dma_start3A_24] : memref<512x128xf32, #tpu.memory_space<vmem>> -> memref<128x128xf32, #tpu.memory_space<vmem>>
    %dma_start3A_26 = arith.constant 0 : i32
    %dma_start3A_27 = tpu.memref_slice %arg5[%dma_start3A_22, %dma_start3A_26] : memref<4x128xi32, #tpu.memory_space<vmem>> -> memref<1x128xi32, #tpu.memory_space<vmem>>
    %dma_start3A_28 = tpu.memref_squeeze %dma_start3A_27 : memref<1x128xi32, #tpu.memory_space<vmem>> -> memref<128xi32, #tpu.memory_space<vmem>>
    %dma_start3A_29 = arith.constant 0 : i32
    %dma_start3A_30 = arith.constant 0 : i32
    %dma_start3A_31 = tpu.memref_slice %arg3[%dma_start3A_29, %dma_start3A_30] : memref<507904x128xf32, #tpu.memory_space<hbm>> -> memref<507904x128xf32, #tpu.memory_space<hbm>>
    tpu.enqueue_indirect_dma source(%dma_start3A_31 : memref<507904x128xf32, #tpu.memory_space<hbm>>) target(%dma_start3A_25 : memref<128x128xf32, #tpu.memory_space<vmem>>) offsets(%dma_start3A_28 : memref<128xi32, #tpu.memory_space<vmem>>) semaphore(%arg7 : memref<!tpu.dma_semaphore, #tpu.memory_space<semaphore_mem>>)
    %dma_start3A_32 = arith.constant 3 : i32
    %dma_start3A_33 = arith.constant 384 : i32
    %dma_start3A_34 = arith.constant 0 : i32
    %dma_start3A_35 = tpu.memref_slice %arg6[%dma_start3A_33, %dma_start3A_34] : memref<512x128xf32, #tpu.memory_space<vmem>> -> memref<128x128xf32, #tpu.memory_space<vmem>>
    %dma_start3A_36 = arith.constant 0 : i32
    %dma_start3A_37 = tpu.memref_slice %arg5[%dma_start3A_32, %dma_start3A_36] : memref<4x128xi32, #tpu.memory_space<vmem>> -> memref<1x128xi32, #tpu.memory_space<vmem>>
    %dma_start3A_38 = tpu.memref_squeeze %dma_start3A_37 : memref<1x128xi32, #tpu.memory_space<vmem>> -> memref<128xi32, #tpu.memory_space<vmem>>
    %dma_start3A_39 = arith.constant 0 : i32
    %dma_start3A_40 = arith.constant 0 : i32
    %dma_start3A_41 = tpu.memref_slice %arg3[%dma_start3A_39, %dma_start3A_40] : memref<507904x128xf32, #tpu.memory_space<hbm>> -> memref<507904x128xf32, #tpu.memory_space<hbm>>
    tpu.enqueue_indirect_dma source(%dma_start3A_41 : memref<507904x128xf32, #tpu.memory_space<hbm>>) target(%dma_start3A_35 : memref<128x128xf32, #tpu.memory_space<vmem>>) offsets(%dma_start3A_38 : memref<128xi32, #tpu.memory_space<vmem>>) semaphore(%arg7 : memref<!tpu.dma_semaphore, #tpu.memory_space<semaphore_mem>>)
    %dma_wait3A = arith.constant 0 : i32
    %dma_wait3A_42 = arith.constant 0 : i32
    %dma_wait3A_43 = arith.constant 0 : i32
    %dma_wait3A_44 = tpu.memref_slice %arg6[%dma_wait3A_42, %dma_wait3A_43] : memref<512x128xf32, #tpu.memory_space<vmem>> -> memref<128x128xf32, #tpu.memory_space<vmem>>
    %dma_wait3A_45 = arith.constant 0 : i32
    %dma_wait3A_46 = tpu.memref_slice %arg5[%dma_wait3A, %dma_wait3A_45] : memref<4x128xi32, #tpu.memory_space<vmem>> -> memref<1x128xi32, #tpu.memory_space<vmem>>
    %dma_wait3A_47 = tpu.memref_squeeze %dma_wait3A_46 : memref<1x128xi32, #tpu.memory_space<vmem>> -> memref<128xi32, #tpu.memory_space<vmem>>
    %dma_wait3A_48 = arith.constant 0 : i32
    %dma_wait3A_49 = arith.constant 0 : i32
    %dma_wait3A_50 = tpu.memref_slice %arg3[%dma_wait3A_48, %dma_wait3A_49] : memref<507904x128xf32, #tpu.memory_space<hbm>> -> memref<507904x128xf32, #tpu.memory_space<hbm>>
    tpu.wait_indirect_dma semaphore(%arg7 : memref<!tpu.dma_semaphore, #tpu.memory_space<semaphore_mem>>) src(%dma_wait3A_50 : memref<507904x128xf32, #tpu.memory_space<hbm>>) dst(%dma_wait3A_44 : memref<128x128xf32, #tpu.memory_space<vmem>>)
    %dma_wait3A_51 = arith.constant 1 : i32
    %dma_wait3A_52 = arith.constant 128 : i32
    %dma_wait3A_53 = arith.constant 0 : i32
    %dma_wait3A_54 = tpu.memref_slice %arg6[%dma_wait3A_52, %dma_wait3A_53] : memref<512x128xf32, #tpu.memory_space<vmem>> -> memref<128x128xf32, #tpu.memory_space<vmem>>
    %dma_wait3A_55 = arith.constant 0 : i32
    %dma_wait3A_56 = tpu.memref_slice %arg5[%dma_wait3A_51, %dma_wait3A_55] : memref<4x128xi32, #tpu.memory_space<vmem>> -> memref<1x128xi32, #tpu.memory_space<vmem>>
    %dma_wait3A_57 = tpu.memref_squeeze %dma_wait3A_56 : memref<1x128xi32, #tpu.memory_space<vmem>> -> memref<128xi32, #tpu.memory_space<vmem>>
    %dma_wait3A_58 = arith.constant 0 : i32
    %dma_wait3A_59 = arith.constant 0 : i32
    %dma_wait3A_60 = tpu.memref_slice %arg3[%dma_wait3A_58, %dma_wait3A_59] : memref<507904x128xf32, #tpu.memory_space<hbm>> -> memref<507904x128xf32, #tpu.memory_space<hbm>>
    tpu.wait_indirect_dma semaphore(%arg7 : memref<!tpu.dma_semaphore, #tpu.memory_space<semaphore_mem>>) src(%dma_wait3A_60 : memref<507904x128xf32, #tpu.memory_space<hbm>>) dst(%dma_wait3A_54 : memref<128x128xf32, #tpu.memory_space<vmem>>)
    %dma_wait3A_61 = arith.constant 2 : i32
    %dma_wait3A_62 = arith.constant 256 : i32
    %dma_wait3A_63 = arith.constant 0 : i32
    %dma_wait3A_64 = tpu.memref_slice %arg6[%dma_wait3A_62, %dma_wait3A_63] : memref<512x128xf32, #tpu.memory_space<vmem>> -> memref<128x128xf32, #tpu.memory_space<vmem>>
    %dma_wait3A_65 = arith.constant 0 : i32
    %dma_wait3A_66 = tpu.memref_slice %arg5[%dma_wait3A_61, %dma_wait3A_65] : memref<4x128xi32, #tpu.memory_space<vmem>> -> memref<1x128xi32, #tpu.memory_space<vmem>>
    %dma_wait3A_67 = tpu.memref_squeeze %dma_wait3A_66 : memref<1x128xi32, #tpu.memory_space<vmem>> -> memref<128xi32, #tpu.memory_space<vmem>>
    %dma_wait3A_68 = arith.constant 0 : i32
    %dma_wait3A_69 = arith.constant 0 : i32
    %dma_wait3A_70 = tpu.memref_slice %arg3[%dma_wait3A_68, %dma_wait3A_69] : memref<507904x128xf32, #tpu.memory_space<hbm>> -> memref<507904x128xf32, #tpu.memory_space<hbm>>
    tpu.wait_indirect_dma semaphore(%arg7 : memref<!tpu.dma_semaphore, #tpu.memory_space<semaphore_mem>>) src(%dma_wait3A_70 : memref<507904x128xf32, #tpu.memory_space<hbm>>) dst(%dma_wait3A_64 : memref<128x128xf32, #tpu.memory_space<vmem>>)
    %dma_wait3A_71 = arith.constant 3 : i32
    %dma_wait3A_72 = arith.constant 384 : i32
    %dma_wait3A_73 = arith.constant 0 : i32
    %dma_wait3A_74 = tpu.memref_slice %arg6[%dma_wait3A_72, %dma_wait3A_73] : memref<512x128xf32, #tpu.memory_space<vmem>> -> memref<128x128xf32, #tpu.memory_space<vmem>>
    %dma_wait3A_75 = arith.constant 0 : i32
    %dma_wait3A_76 = tpu.memref_slice %arg5[%dma_wait3A_71, %dma_wait3A_75] : memref<4x128xi32, #tpu.memory_space<vmem>> -> memref<1x128xi32, #tpu.memory_space<vmem>>
    %dma_wait3A_77 = tpu.memref_squeeze %dma_wait3A_76 : memref<1x128xi32, #tpu.memory_space<vmem>> -> memref<128xi32, #tpu.memory_space<vmem>>
    %dma_wait3A_78 = arith.constant 0 : i32
    %dma_wait3A_79 = arith.constant 0 : i32
    %dma_wait3A_80 = tpu.memref_slice %arg3[%dma_wait3A_78, %dma_wait3A_79] : memref<507904x128xf32, #tpu.memory_space<hbm>> -> memref<507904x128xf32, #tpu.memory_space<hbm>>
    tpu.wait_indirect_dma semaphore(%arg7 : memref<!tpu.dma_semaphore, #tpu.memory_space<semaphore_mem>>) src(%dma_wait3A_80 : memref<507904x128xf32, #tpu.memory_space<hbm>>) dst(%dma_wait3A_74 : memref<128x128xf32, #tpu.memory_space<vmem>>)
    "tpu.region"() ({
      %run_scoped3A = tpu.sem_alloc : memref<!tpu.dma_semaphore, #tpu.memory_space<semaphore_mem>>
      %dma_start3A_81 = arith.constant 0 : i32
      %dma_start3A_82 = tpu.memref_slice %arg4[%mul3A_2, %dma_start3A_81] : memref<16384x128xf32, #tpu.memory_space<hbm>> -> memref<512x128xf32, #tpu.memory_space<hbm>>
      %dma_start3A_83 = arith.constant 0 : i32
      %dma_start3A_84 = tpu.memref_slice %arg4[%mul3A_2, %dma_start3A_83] : memref<16384x128xf32, #tpu.memory_space<hbm>> -> memref<512x128xf32, #tpu.memory_space<hbm>>
      tpu.enqueue_dma source(%arg6 : memref<512x128xf32, #tpu.memory_space<vmem>>) target(%dma_start3A_84 : memref<512x128xf32, #tpu.memory_space<hbm>>) target_semaphore(%run_scoped3A : memref<!tpu.dma_semaphore, #tpu.memory_space<semaphore_mem>>)
      %dma_wait3A_85 = arith.constant 0 : i32
      %dma_wait3A_86 = tpu.memref_slice %arg4[%mul3A_2, %dma_wait3A_85] : memref<16384x128xf32, #tpu.memory_space<hbm>> -> memref<512x128xf32, #tpu.memory_space<hbm>>
      %dma_wait3A_87 = arith.constant 0 : i32
      %dma_wait3A_88 = tpu.memref_slice %arg4[%mul3A_2, %dma_wait3A_87] : memref<16384x128xf32, #tpu.memory_space<hbm>> -> memref<512x128xf32, #tpu.memory_space<hbm>>
      tpu.wait_dma2 semaphore(%run_scoped3A : memref<!tpu.dma_semaphore, #tpu.memory_space<semaphore_mem>>) src(%arg6 : memref<512x128xf32, #tpu.memory_space<vmem>>) dst(%dma_wait3A_88 : memref<512x128xf32, #tpu.memory_space<hbm>>)
      tpu.yield
    }) : () -> ()
    return
  }
}

module attributes {stable_mosaic.version = 14 : i64} {
  func.func @_mm_body(%arg0: i32, %arg1: memref<2048x128xf32, #tpu.memory_space<vmem>>, %arg2: memref<2048x1xf32, #tpu.memory_space<vmem>>, %arg3: memref<128x64xf32, #tpu.memory_space<vmem>>, %arg4: memref<1x64xf32, #tpu.memory_space<vmem>>, %arg5: memref<2048x64xf32, #tpu.memory_space<vmem>>) attributes {dimension_semantics = [#tpu.dimension_semantics<arbitrary>], iteration_bounds = array<i64: 8>, scalar_prefetch = 0 : i64, scratch_operands = 0 : i64, tpu.core_type = #tpu.core_type<tc>, window_params = [{transform_indices = @transform_0, window_bounds = array<i64: 2048, 128>}, {transform_indices = @transform_1, window_bounds = array<i64: 2048, 1>}, {pipeline_mode = #tpu.pipeline_mode<synchronous>, transform_indices = @transform_2, window_bounds = array<i64: 128, 64>}, {pipeline_mode = #tpu.pipeline_mode<synchronous>, transform_indices = @transform_3, window_bounds = array<i64: 1, 64>}, {transform_indices = @transform_4, window_bounds = array<i64: 2048, 64>}]} {
    %iota3A = tpu.iota {dimensions = array<i32: 1>} : vector<2048x128xi32>
    %get3A = arith.constant 0 : index
    %get3A_0 = arith.constant 0 : index
    %get3A_1 = vector.load %arg2[%get3A, %get3A_0] : memref<2048x1xf32, #tpu.memory_space<vmem>>, vector<2048x1xf32>
    %lt3A = arith.constant 64 : i32
    %lt3A_2 = vector.broadcast %lt3A : i32 to vector<2048x128xi32>
    %lt3A_3 = arith.cmpi slt, %iota3A, %lt3A_2 : vector<2048x128xi32>
    %sub3A = arith.constant 1.000000e+00 : f32
    %sub3A_4 = vector.broadcast %sub3A : f32 to vector<2048x1xf32>
    %sub3A_5 = arith.subf %sub3A_4, %get3A_1 : vector<2048x1xf32>
    %broadcast_in_dim3A = vector.shape_cast %sub3A_5 : vector<2048x1xf32> to vector<2048x1xf32>
    %broadcast_in_dim3A_6 = vector.broadcast %broadcast_in_dim3A : vector<2048x1xf32> to vector<2048x128xf32>
    %broadcast_in_dim3A_7 = vector.shape_cast %get3A_1 : vector<2048x1xf32> to vector<2048x1xf32>
    %broadcast_in_dim3A_8 = vector.broadcast %broadcast_in_dim3A_7 : vector<2048x1xf32> to vector<2048x128xf32>
    %select_n3A = arith.select %lt3A_3, %broadcast_in_dim3A_6, %broadcast_in_dim3A_8 : vector<2048x128xi1>, vector<2048x128xf32>
    %get3A_9 = arith.constant 0 : index
    %get3A_10 = arith.constant 0 : index
    %get3A_11 = vector.load %arg1[%get3A_9, %get3A_10] : memref<2048x128xf32, #tpu.memory_space<vmem>>, vector<2048x128xf32>
    %mul3A = arith.mulf %get3A_11, %select_n3A : vector<2048x128xf32>
    %get3A_12 = arith.constant 0 : index
    %get3A_13 = arith.constant 0 : index
    %get3A_14 = vector.load %arg3[%get3A_12, %get3A_13] : memref<128x64xf32, #tpu.memory_space<vmem>>, vector<128x64xf32>
    %dot_general3A = arith.constant dense<0.000000e+00> : vector<2048x64xf32>
    %dot_general3A_15 = tpu.matmul %mul3A, %get3A_14, %dot_general3A {dimension_numbers = #tpu.dot_dimension_numbers<[1], [0], [0], [1], [0, 0, 1, 1], [], []>, transpose_lhs_hint = false} : vector<2048x128xf32>, vector<128x64xf32>, vector<2048x64xf32> -> vector<2048x64xf32>
    %get3A_16 = arith.constant 0 : index
    %get3A_17 = arith.constant 0 : index
    %get3A_18 = vector.load %arg4[%get3A_16, %get3A_17] : memref<1x64xf32, #tpu.memory_space<vmem>>, vector<1x64xf32>
    %add3A = vector.broadcast %get3A_18 : vector<1x64xf32> to vector<2048x64xf32>
    %add3A_19 = arith.addf %dot_general3A_15, %add3A : vector<2048x64xf32>
    %swap3A = arith.constant 0 : index
    %swap3A_20 = arith.constant 0 : index
    %swap3A_21 = vector.load %arg5[%swap3A, %swap3A_20] : memref<2048x64xf32, #tpu.memory_space<vmem>>, vector<2048x64xf32>
    tpu.vector_store %arg5[%swap3A, %swap3A_20], %add3A_19 {strides = array<i32>} : memref<2048x64xf32, #tpu.memory_space<vmem>>, vector<2048x64xf32>,
    return
  }
  func.func @transform_0(%arg0: i32) -> (i32, i32) {
    %c0_i32 = arith.constant 0 : i32
    %c0_i32_0 = arith.constant 0 : i32
    return %arg0, %c0_i32 : i32, i32
  }
  func.func @transform_1(%arg0: i32) -> (i32, i32) {
    %c0_i32 = arith.constant 0 : i32
    %c0_i32_0 = arith.constant 0 : i32
    return %arg0, %c0_i32 : i32, i32
  }
  func.func @transform_2(%arg0: i32) -> (i32, i32) {
    %c0_i32 = arith.constant 0 : i32
    %c0_i32_0 = arith.constant 0 : i32
    %c0_i32_1 = arith.constant 0 : i32
    return %c0_i32, %c0_i32_0 : i32, i32
  }
  func.func @transform_3(%arg0: i32) -> (i32, i32) {
    %c0_i32 = arith.constant 0 : i32
    %c0_i32_0 = arith.constant 0 : i32
    %c0_i32_1 = arith.constant 0 : i32
    return %c0_i32, %c0_i32_0 : i32, i32
  }
  func.func @transform_4(%arg0: i32) -> (i32, i32) {
    %c0_i32 = arith.constant 0 : i32
    %c0_i32_0 = arith.constant 0 : i32
    return %arg0, %c0_i32 : i32, i32
  }
}

module attributes {stable_mosaic.version = 14 : i64} {
  func.func @_tr_body(%arg0: i32, %arg1: memref<64x16384xf32, #tpu.memory_space<vmem>>, %arg2: memref<8192x128xf32, #tpu.memory_space<vmem>>) attributes {dimension_semantics = [#tpu.dimension_semantics<arbitrary>], iteration_bounds = array<i64: 62>, scalar_prefetch = 0 : i64, scratch_operands = 0 : i64, tpu.core_type = #tpu.core_type<tc>, window_params = [{transform_indices = @transform_0, window_bounds = array<i64: 64, 16384>}, {transform_indices = @transform_1, window_bounds = array<i64: 8192, 128>}]} {
    %get3A = arith.constant 0 : index
    %get3A_0 = arith.constant 0 : index
    %get3A_1 = vector.load %arg1[%get3A, %get3A_0] : memref<64x16384xf32, #tpu.memory_space<vmem>>, vector<64x16384xf32>
    %transpose3A = tpu.transpose %get3A_1, [1, 0] : vector<64x16384xf32> -> vector<16384x64xf32>
    %slice3A = vector.extract_strided_slice %transpose3A {offsets = [0, 0], sizes = [8192, 64], strides = [1, 1]} : vector<16384x64xf32> to vector<8192x64xf32>
    %swap3A = arith.constant 0 : index
    %swap3A_2 = arith.constant 0 : index
    %swap3A_3 = vector.load %arg2[%swap3A, %swap3A_2] : memref<8192x128xf32, #tpu.memory_space<vmem>>, vector<8192x64xf32>
    tpu.vector_store %arg2[%swap3A, %swap3A_2], %slice3A {strides = array<i32>} : memref<8192x128xf32, #tpu.memory_space<vmem>>, vector<8192x64xf32>,
    %slice3A_4 = vector.extract_strided_slice %transpose3A {offsets = [8192, 0], sizes = [8192, 64], strides = [1, 1]} : vector<16384x64xf32> to vector<8192x64xf32>
    %swap3A_5 = arith.constant 0 : index
    %swap3A_6 = arith.constant 64 : index
    %swap3A_7 = vector.load %arg2[%swap3A_5, %swap3A_6] : memref<8192x128xf32, #tpu.memory_space<vmem>>, vector<8192x64xf32>
    tpu.vector_store %arg2[%swap3A_5, %swap3A_6], %slice3A_4 {strides = array<i32>} : memref<8192x128xf32, #tpu.memory_space<vmem>>, vector<8192x64xf32>,
    return
  }
  func.func @transform_0(%arg0: i32) -> (i32, i32) {
    %c0_i32 = arith.constant 0 : i32
    %c0_i32_0 = arith.constant 0 : i32
    return %c0_i32, %arg0 : i32, i32
  }
  func.func @transform_1(%arg0: i32) -> (i32, i32) {
    %c0_i32 = arith.constant 0 : i32
    %c0_i32_0 = arith.constant 0 : i32
    return %arg0, %c0_i32 : i32, i32
  }
}

</mosaic_0001>

<sc_bundles>
// kernel: kernel.5.cloned.1.call-start
scs
__scs_entry_jumppad:
0x0: {  	(pc) =	sbr.rel $0x88, $3  }
0x1: {  	(tag) =	ssettag $0x0;
	lr =	simm.s32 $0x1  }
0x2: {  	[smem:$0x3F9D] =	sst lr;
	_ =	strace $0xD0000000  }
0x3: {  	_ = 	snop  }
0x4: {  	_ = 	snop  }
0x5: {  	_ = 	snop  }
0x6: {  	_ = 	snop  }
0x7: {  	_ = 	snop  }
__scs_overlays_trampoline_lowered:
0x8: {  	[smem:$0x3FAC] =	sst s0  }
0x9: {  	[smem:$0x3FAD] =	sst s1  }
0xa: {  	[smem:$0x3FAE] =	sst s2  }
0xb: {  	[smem:$0x3FAF] =	sst s3  }
0xc: {  	[smem:$0x3FB0] =	sst s4  }
0xd: {  	[smem:$0x3FB1] =	sst s5  }
0xe: {  	[smem:$0x3FB2] =	sst s6  }
0xf: {  	[smem:$0x3FB3] =	sst s7  }
0x10: {  	[smem:$0x3FB4] =	sst s8  }
0x11: {  	[smem:$0x3FB5] =	sst s9;
	s0 =	simm.s32 @!p0 $0x0  }
0x12: {  	s1 =	sld [smem:$0x3F9B];
	s0 =	simm.s32 @p0 $0x1  }
0x13: {  	[smem:$0x3FB6] =	sst s0;
	s0 =	simm.s32 @!p1 $0x0  }
0x14: {  	s2 =	sld [smem:$0x3F9A];
	s0 =	simm.s32 @p1 $0x1  }
0x15: {  	[smem:$0x3FB7] =	sst s0;
	s0 =	simm.s32 @!p2 $0x0  }
0x16: {  	s3 =	sld [smem:$0x3FDB];
	s0 =	simm.s32 @p2 $0x1  }
0x17: {  	s4 =	simm.s32 $0x1BF5;
	[smem:$0x3FB9] =	sst s0  }
0x18: {  	s0 =	sld [smem:$0x3F9C];
	_ =	swait.ge [sflag:s4], $0x0  }
0x19: {  	s7 =	sld [smem:$0x3F9D]  }
0x1a: {  	s8 =	sadd.s32 $0xFFFFE003, lr  }
0x1b: {  	s9 =	sadd.s32 $0xFFFFFEF7, lr;
	s5 =	simm.s32 $0xFFFFFFFF;
	p2 =	slt.u32 s8, $0xFFFFF086  }
0x1c: {  	p1 =	slt.u32 s9, $0xF7A;
	s5 =	simm.s32 @!p2 $0x0  }
0x1d: {  	s5 =	simm.s32 @p1 $0x1;
	p0 =	seq.s32 s7, s2  }
0x1e: {  	s7 =	smul.u32 @!p0 $0xF7A, s2;
	p2 =	seq.s32 @!p0 s5, $0x0  }
0x1f: {  	s9 =	smul.u32 $0xF7A, s1;
	s8 =	simm.s32 @!p0 $0x1BF5;
	p2 =	por !p2, p0  }
0x20: {  	[sflag:s8] =	ssyncset.s32 @!p0 $0xFFFFF086;
	s6 =	sadd.s32 @!p0 s3, s7;
	s7 =	simm.s32 @!p0 $0x108  }
0x21: {  	s3 =	sadd.s32 s3, s9;
	s6 =	sadd.s32 @!p0 $0x88, s6;
	s7 =	simm.s32 @p2 $0x1082  }
0x22: {  	[simem:s7], [sflag:s8] =	dma.local @!p0 [hbm:s6], $0xF7A  }
0x23: {  	s9 =	sor.u32 $0xD0000000, s2;
	s6 =	simm.s32 $0x108;
	_ =	swait.ge @!p0 [sflag:s8], $0x0  }
0x24: {  	s3 =	sadd.s32 $0x88, s3;
	s6 =	simm.s32 @!p1 $0x1082;
	[sflag:s4] =	ssyncset.s32 $0xFFFFF086  }
0x25: {  	[simem:s6], [sflag:s4] =	dma.local [hbm:s3], $0xF7A  }
0x26: {  	[smem:$0x3F9D] =	sst s1;
	(tag) =	ssettag s2;
	_ =	strace s9  }
0x27: {  	s1 =	sld [smem:$0x3FAD]  }
0x28: {  	s2 =	sld [smem:$0x3FAE]  }
0x29: {  	s4 =	sld [smem:$0x3FB0]  }
0x2a: {  	p0 =	seq.s32 s5, $0x0;
	s5 =	sld [smem:$0x3FB1]  }
0x2b: {  	s6 =	sld [smem:$0x3FB2]  }
0x2c: {  	s7 =	sld [smem:$0x3FB3]  }
0x2d: {  	s3 =	simm.s32 $0x108;
	s8 =	sld [smem:$0x3FB4]  }
0x2e: {  	s3 =	simm.s32 @!p0 $0x1082;
	s9 =	sld [smem:$0x3FB5]  }
0x2f: {  	lr =	sadd.s32 s0, s3;
	s0 =	sld [smem:$0x3FAC]  }
0x30: {  	s3 =	sld [smem:$0x3FAF]  }
0x31: {  	[smem:$0x3FB8] =	sst s10  }
0x32: {  	s10 =	sld [smem:$0x3FB6];
	_ =	sdelay $0x3  }
0x33: {  	p0 =	seq.s32 s10, $0x1;
	s10 =	sld [smem:$0x3FB8];
	_ =	sdelay $0x3  }
0x34: {  	[smem:$0x3FB8] =	sst s10  }
0x35: {  	s10 =	sld [smem:$0x3FB7];
	_ =	sdelay $0x3  }
0x36: {  	p1 =	seq.s32 s10, $0x1;
	s10 =	sld [smem:$0x3FB8];
	_ =	sdelay $0x3  }
0x37: {  	[smem:$0x3FB8] =	sst s10  }
0x38: {  	s10 =	sld [smem:$0x3FB9]  }
0x39: {  	_ = 	snop;
	(pc) =	sbr.ind lr, $3  }
0x3a: {  	_ = 	snop  }
0x3b: {  	_ = 	snop  }
0x3c: {  	p2 =	seq.s32 s10, $0x1;
	s10 =	sld [smem:$0x3FB8]  }
0x3d: {  	_ =	shalt  }
0x3e: {  	_ =	shalt  }
0x3f: {  	_ =	shalt  }
0x40: {  	_ =	shalt  }
0x41: {  	_ =	shalt  }
0x42: {  	_ =	shalt  }
0x43: {  	_ =	shalt  }
0x44: {  	_ =	shalt  }
0x45: {  	_ =	shalt  }
0x46: {  	_ =	shalt  }
0x47: {  	_ =	shalt  }
0x48: {  	_ =	shalt  }
0x49: {  	_ =	shalt  }
0x4a: {  	_ =	shalt  }
0x4b: {  	_ =	shalt  }
0x4c: {  	_ =	shalt  }
0x4d: {  	_ =	shalt  }
0x4e: {  	_ =	shalt  }
0x4f: {  	_ =	shalt  }
0x50: {  	_ =	shalt  }
0x51: {  	_ =	shalt  }
0x52: {  	_ =	shalt  }
0x53: {  	_ =	shalt  }
0x54: {  	_ =	shalt  }
0x55: {  	_ =	shalt  }
0x56: {  	_ =	shalt  }
0x57: {  	_ =	shalt  }
0x58: {  	_ =	shalt  }
0x59: {  	_ =	shalt  }
0x5a: {  	_ =	shalt  }
0x5b: {  	_ =	shalt  }
0x5c: {  	_ =	shalt  }
0x5d: {  	_ =	shalt  }
0x5e: {  	_ =	shalt  }
0x5f: {  	_ =	shalt  }
0x60: {  	_ =	shalt  }
0x61: {  	_ =	shalt  }
0x62: {  	_ =	shalt  }
0x63: {  	_ =	shalt  }
0x64: {  	_ =	shalt  }
0x65: {  	_ =	shalt  }
0x66: {  	_ =	shalt  }
0x67: {  	_ =	shalt  }
0x68: {  	_ =	shalt  }
0x69: {  	_ =	shalt  }
0x6a: {  	_ =	shalt  }
0x6b: {  	_ =	shalt  }
0x6c: {  	_ =	shalt  }
0x6d: {  	_ =	shalt  }
0x6e: {  	_ =	shalt  }
0x6f: {  	_ =	shalt  }
0x70: {  	_ =	shalt  }
0x71: {  	_ =	shalt  }
0x72: {  	_ =	shalt  }
0x73: {  	_ =	shalt  }
0x74: {  	_ =	shalt  }
0x75: {  	_ =	shalt  }
0x76: {  	_ =	shalt  }
0x77: {  	_ =	shalt  }
0x78: {  	_ =	shalt  }
0x79: {  	_ =	shalt  }
0x7a: {  	_ =	shalt  }
0x7b: {  	_ =	shalt  }
0x7c: {  	_ =	shalt  }
0x7d: {  	_ =	shalt  }
0x7e: {  	_ =	shalt  }
0x7f: {  	_ =	shalt  }
0x80: {  	_ =	shalt  }
0x81: {  	_ =	shalt  }
0x82: {  	_ =	shalt  }
0x83: {  	_ =	shalt  }
0x84: {  	_ =	shalt  }
0x85: {  	_ =	shalt  }
0x86: {  	_ =	shalt  }
0x87: {  	_ =	shalt  }
.Lfunc_end0:
.L_simem_size_0:
called_computation_lowered:
.L_overlay_start_0:
0x88: {  	s2 =	sld [smem:$0x3FD9]  }
0x89: {  	s3 =	sld [smem:$0x3FFE];
	_ =	sdelay $0x1  }
0x8a: {  	s1 =	srdreg.scid  }
0x8b: {  	s0 =	sand.u32 $0x1, s1  }
0x8c: {  	s16 =	sshll.u32 s0, $0xA;
	s2 =	sadd.s32 s3, s2  }
0x8d: {  	s2 =	sadd.s32 s2, s16  }
0x8e: {  	[smem:$0x3FC4] =	sst s2  }
0x8f: {  	_ = 	snop  }
0x90: {  	(tm) =	ssettm $0x1  }
0x91: {  	s17 =	sld [smem:$0x3FFB];
	_ =	sdelay $0x3  }
0x92: {  	_ =	strace s17  }
0x93: {  	s2 =	sld [smem:$0x3FFC];
	_ =	sdelay $0x3  }
0x94: {  	_ =	strace s2  }
0x95: {  	s2 =	sld [smem:$0x3FFD];
	_ =	sdelay $0x3  }
0x96: {  	_ =	strace s2  }
0x97: {  	_ =	strace $0x8FFFFFFF  }
0x98: {  	s18 =	sld [smem:$0x3FDB];
	_ =	sdelay $0x1  }
0x99: {  	s19 =	simm.s32 $_scs_section_size  }
0x9a: {  	s4 =	simm.s32 $_size__tile_overlayer_lowered;
	s5 =	simm.s32 $_tile_overlayer_lowered  }
0x9b: {  	s22 =	simm.s32 $0x1BFF;
	s21 =	sshll.u32 s5, $0x1;
	s2 =	sadd.s32 s19, s18  }
0x9c: {  	s6 =	simm.s32 $0x0;
	s20 =	sshll.u32 s4, $0x1;
	s4 =	sadd.s32 s21, s2  }
0x9d: {  	[timem:s6], [sflag:s22] =	dma.local [hbm:s4], s20  }
0x9e: {  	_ =	swait.ge [sflag:s22], s20  }
0x9f: {  	s3 =	ssub.s32 $0x0, s20;
	[sflag:s22] =	ssyncset.done $0x0  }
0xa0: {  	[sflag:s22] =	ssyncadd.s32 s3;
	_ =	sdelay $0x1  }
0xa1: {  	s23 =	simm.s32 $0x1B8B  }
0xa2: {  	_ =	swait.ge [sflag:s23], $0x1  }
0xa3: {  	[sflag:s23] =	ssyncset.done $0x0  }
0xa4: {  	s25 =	simm.s32 $0x1B8E;
	s24 =	sld [smem:$0x3FFE];
	[sflag:s23] =	ssyncadd.s32 $0xFFFFFFFF  }
0xa5: {  	s26 =	simm.s32 $execute0_lowered;
	[smem:$0x3FD2] =	sst s25  }
0xa6: {  	s4 =	sshll.u32 s26, $0x1;
	_ =	strace $0x80000046;
	[dreg:$0x1] =	wrdreg $0xFFFFFFFF  }
0xa7: {  	s28 =	simm.s32 $_size_execute0_lowered;
	s2 =	sadd.s32 s2, s4;
	[dreg:$0x0] =	wrdreg $0x0  }
0xa8: {  	s4 =	sshll.u32 s28, $0x1;
	[dreg:$0x2] =	wrdreg s2  }
0xa9: {  	[dreg:$0x3] =	wrdreg s4  }
0xaa: {  	[dreg:$0x4] =	wrdreg $0xC0  }
0xab: {  	_ =	task [dreg:s6], $0x5FFFF  }
0xac: {  	[dreg:$0x1] =	wrdreg $0xFFFFFFFF  }
0xad: {  	[dreg:$0x0] =	wrdreg $0x60  }
0xae: {  	[dreg:$0x2] =	wrdreg s24  }
0xaf: {  	[dreg:$0x3] =	wrdreg $0x9  }
0xb0: {  	_ =	task.clear_ibuf [dreg:s6], $0x4FFFF;
	_ =	strace $0x90000046  }
0xb1: {  	s29 =	simm.s32 $0x9;
	_ =	strace $0x80000048  }
0xb2: {  	_ =	swait.ge [sflag:s29], $0x1  }
0xb3: {  	[sflag:s29] =	ssyncadd.s32 $0xFFFFFFFF  }
0xb4: {  	_ =	strace $0x90000048  }
0xb5: {  	_ =	sfence  }
0xb6: {  	s30 =	sld [smem:$0x0];
	_ =	sdelay $0x2  }
0xb7: {  	s31 =	sshll.u32 s1, $0xD;
	s1 =	sshrl.u32 s1, $0x2  }
0xb8: {  	s3 =	sand.u32 $0x4000, s31;
	s1 =	sadd.s32 s1, s30  }
0xb9: {  	s0 =	sor.u32 s3, s0;
	s1 =	sshll.u32 s1, $0x11  }
0xba: {  	s0 =	sor.u32 s1, s0  }
0xbb: {  	s0 =	sadd.s32 $0x8F2B, s0  }
0xbc: {  	[sflag:s0] =	ssyncadd.remote.s32 $0x1  }
0xbd: {  	_ =	sfence.sel $0xFFFF  }
0xbe: {  	[dreg:$0x0] =	wrdreg $0xFFFFFFFF;
	(pc) =	sbr.abs _section_cstart, $3  }
0xbf: {  	[dreg:$0x1] =	wrdreg $0xFFFFFFFF  }
0xc0: {  	_ =	task.clear_ibuf [dreg:s6], $0x2FFFF;
	_ =	strace $0x9FFFFFFF  }
0xc1: {  	(tm) =	ssettm $0x7FFFFFFF  }
tec
execute0_lowered:
.L_overlay_start_1:
0x0: {  	(tag) =	ssettag $0x1  }
0x1: {  	s1 =	srdreg.scid  }
0x2: {  	s0 =	stileid.u32;
	s14 =	sand.u32 $0x1, s1  }
0x3: {  	s29 =	sshll.u32 s0, $0xA;
	s2 =	sshll.u32 s14, $0x9  }
0x4: {  	s15 =	rddreg [dreg:$0x0];
	s16 =	sor.u32 s2, s29  }
0x5: {  	s1 =	rddreg [dreg:$0x1];
	s2 =	simm.s32 $0x0;
	s3 =	sshrl.u32 s16, $0x3  }
0x6: {  	[smem:$0x7FF] =	sst s2;
	s3 =	sadd.s32 s3, s15  }
0x7: {  	_ =	strace $0x80000047;
	s4 =	sadd.s32 $0xE00, s3;
	s3 =	simm.s32 $0x2  }
0x8: {  	[tilespmem:s2], [sflag:$0x2] =	stream.linear.gather [hbm4b:s4+s2], $0x200, $0x38;
	[tilespmem:$0x10200] =	vst v63  }
0x9: {  	_ =	swait.ge [sflag:s3], $0x200  }
0xa: {  	s6 =	simm.s32 $0x80;
	[sflag:s3] =	ssyncset.done $0x0  }
0xb: {  	s7 =	simm.s32 $0x200;
	s5 =	sadd.s32 $0x1600, s15;
	[sflag:s3] =	ssyncadd.s32 $0xFFFFFE00  }
0xc: {  	[tilespmem:s7], [sflag:$0x1] =	stream.indirect.gather [hbm4b:s5+s6], $0x80, s2, s6, $0xb8;
	[tilespmem:$0x10200] =	vst v63  }
0xd: {  	s8 =	simm.s32 $0x4200  }
0xe: {  	[tilespmem:s8], [sflag:$0x1] =	stream.indirect.gather [hbm4b:s5+s6], $0x80, s6, s6, $0xb8;
	[tilespmem:$0x10200] =	vst v63  }
0xf: {  	s9 =	simm.s32 $0x100;
	s10 =	simm.s32 $0x8200  }
0x10: {  	[tilespmem:s10], [sflag:$0x1] =	stream.indirect.gather [hbm4b:s5+s6], $0x80, s9, s6, $0xb8;
	[tilespmem:$0x10200] =	vst v63  }
0x11: {  	s11 =	simm.s32 $0x180;
	s12 =	simm.s32 $0xC200;
	s13 =	simm.s32 $0x1  }
0x12: {  	[tilespmem:s12], [sflag:$0x1] =	stream.indirect.gather [hbm4b:s5+s6], $0x80, s11, s6, $0xb8;
	[tilespmem:$0x10200] =	vst v63  }
0x13: {  	_ =	swait.ge [sflag:s13], $0x4000  }
0x14: {  	[sflag:s13] =	ssyncset.done $0x0  }
0x15: {  	[sflag:s13] =	ssyncadd.s32 $0xFFFFC000  }
0x16: {  	_ =	swait.ge [sflag:s13], $0x4000  }
0x17: {  	[sflag:s13] =	ssyncset.done $0x0  }
0x18: {  	s14 =	ssub.s32 $0x2, s14;
	[sflag:s13] =	ssyncadd.s32 $0xFFFFC000  }
0x19: {  	s17 =	sshrl.u32 s14, $0x1;
	_ =	swait.ge [sflag:s13], $0x4000  }
0x1a: {  	s30 =	ssub.s32 s14, s17;
	[sflag:s13] =	ssyncset.done $0x0  }
0x1b: {  	s31 =	smax.u32 s30, $0x1;
	[sflag:s13] =	ssyncadd.s32 $0xFFFFC000  }
0x1c: {  	s16 =	sshll.u32 s16, $0x4;
	p0 =	sne.s32 s31, $0x1;
	_ =	swait.ge [sflag:s13], $0x4000  }
.Ltmp0:
0x1d: {  	s15 =	sadd.s32 s16, s15;
	[sflag:s13] =	ssyncset.done $0x0;
	(pc) =	sbr.rel @!p0 .LBB2_2-.Ltmp0, $4  }
0x1e: {  	s14 =	sadd.s32 $0x7C1600, s15;
	[sflag:s13] =	ssyncadd.s32 $0xFFFFC000  }
0x1f: {  	[hbm4b:s14+s2] =	stream.linear.scatter [tilespmem:s7], [sflag:$0x2], $0x10000, $0x38;
	[tilespmem:$0x10200] =	vst v63  }
0x20: {  	_ =	swait.ge [sflag:s3], $0x10000  }
0x21: {  	s15 =	sadd.s32 $0xFFFFFFFF, s31;
	[sflag:s3] =	ssyncset.done $0x0  }
.LBB2_1:
0x22: {  	p0 =	sne.s32 s15, $0x1;
	s15 =	sadd.s32 $0xFFFFFFFF, s15;
	[sflag:s3] =	ssyncadd.s32 $0xFFFF0000  }
0x23: {  	[tilespmem:s2], [sflag:$0x2] =	stream.linear.gather [hbm4b:s4+s2], $0x200, $0x38;
	[tilespmem:$0x10200] =	vst v63  }
0x24: {  	_ =	swait.ge [sflag:s3], $0x200  }
0x25: {  	[sflag:s3] =	ssyncset.done $0x0  }
0x26: {  	[sflag:s3] =	ssyncadd.s32 $0xFFFFFE00  }
0x27: {  	[tilespmem:s7], [sflag:$0x1] =	stream.indirect.gather [hbm4b:s5+s6], $0x80, s2, s6, $0xb8;
	[tilespmem:$0x10200] =	vst v63  }
0x28: {  	_ = 	snop  }
0x29: {  	[tilespmem:s8], [sflag:$0x1] =	stream.indirect.gather [hbm4b:s5+s6], $0x80, s6, s6, $0xb8;
	[tilespmem:$0x10200] =	vst v63  }
0x2a: {  	_ = 	snop  }
0x2b: {  	[tilespmem:s10], [sflag:$0x1] =	stream.indirect.gather [hbm4b:s5+s6], $0x80, s9, s6, $0xb8;
	[tilespmem:$0x10200] =	vst v63  }
0x2c: {  	_ = 	snop  }
0x2d: {  	[tilespmem:s12], [sflag:$0x1] =	stream.indirect.gather [hbm4b:s5+s6], $0x80, s11, s6, $0xb8;
	[tilespmem:$0x10200] =	vst v63  }
0x2e: {  	_ =	swait.ge [sflag:s13], $0x4000  }
0x2f: {  	[sflag:s13] =	ssyncset.done $0x0  }
0x30: {  	[sflag:s13] =	ssyncadd.s32 $0xFFFFC000  }
0x31: {  	_ =	swait.ge [sflag:s13], $0x4000  }
0x32: {  	[sflag:s13] =	ssyncset.done $0x0  }
0x33: {  	[sflag:s13] =	ssyncadd.s32 $0xFFFFC000  }
0x34: {  	_ =	swait.ge [sflag:s13], $0x4000  }
0x35: {  	[sflag:s13] =	ssyncset.done $0x0  }
0x36: {  	[sflag:s13] =	ssyncadd.s32 $0xFFFFC000  }
0x37: {  	_ =	swait.ge [sflag:s13], $0x4000  }
.Ltmp1:
0x38: {  	[sflag:s13] =	ssyncset.done $0x0;
	(pc) =	sbr.rel @p0 .LBB2_1-.Ltmp1, $4  }
0x39: {  	[sflag:s13] =	ssyncadd.s32 $0xFFFFC000  }
0x3a: {  	[hbm4b:s14+s2] =	stream.linear.scatter [tilespmem:s7], [sflag:$0x2], $0x10000, $0x38;
	[tilespmem:$0x10200] =	vst v63  }
0x3b: {  	_ =	swait.ge [sflag:s3], $0x10000  }
0x3c: {  	[sflag:s3] =	ssyncset.done $0x0  }
.LBB2_2:
0x3d: {  	[sflag:s3] =	ssyncadd.s32 $0xFFFF0000  }
0x3e: {  	_ =	sfence.sel $0x180000  }
0x3f: {  	[bflag:$0x0] =	sbarrier.arrive $0xFFFF  }
0x40: {  	p0 =	sne.s32 s0, $0x0;
	_ =	strace $0x90000047  }
0x41: {  	s0 =	sadd.s32 @!p0 $0x100000, s1;
	[bflag:$0x2] =	sbarrier.arrive $0xFFFF  }
0x42: {  	[sflag:s0] =	ssyncadd.tile.s32 @!p0 $0x1;
	_ =	shalt  }
.Lfunc_end2:
_tile_overlayer_lowered:
.L_overlay_start_2:
0x43: {  	(tag) =	ssettag $0x2  }
0x44: {  	s0 =	rddreg [dreg:$0x0];
	s2 =	stileid.u32  }
0x45: {  	s1 =	rddreg [dreg:$0x1];
	p0 =	sne.s32 s2, $0x0  }
0x46: {  	s3 =	rddreg [dreg:$0x2];
	[bflag:$0x3] =	sbarrier.arrive $0xFFFF;
	s2 =	simm.s32 @!p0 $0x1C02  }
0x47: {  	[timem:s3], [sflag:s2] =	dma.local @!p0 [hbm:s0], s1  }
0x48: {  	s0 =	simm.s32 @!p0 $0x2  }
0x49: {  	_ =	swait.ge @!p0 [sflag:s0], s1  }
0x4a: {  	s1 =	ssub.s32 @!p0 $0x0, s1;
	[sflag:s0] =	ssyncset.done @!p0 $0x0  }
0x4b: {  	[sflag:s0] =	ssyncadd.s32 @!p0 s1  }
0x4c: {  	[bflag:$0x3] =	sbarrier.arrive $0xFFFF  }
0x4d: {  	_ =	shalt  }

</sc_bundles>
